<compile_context>
chip_gen: v7x
topology: tpu7x:2x2x1
jax: 0.10.2.dev20260603
libtpu: 0.0.44.dev20260713+nightly
codegen_flags: <defaults>
</compile_context>

<pallas_src>
import functools

import jax
import jax.numpy as jnp
from jax import lax
from jax.experimental import pallas as pl
from jax.experimental.pallas import tpu as pltpu
from jax.experimental.pallas import tpu_sc as plsc

_B = 4096
_F = 128
_NF = 100
_NC = 2
_NS = 16
_NW = _NC * _NS
_BPW = _B // _NW

_BM = 1024


def _sc_gather_body(W_user, W_item, user_bias, item_bias, uid, iid,
                    emb_u, emb_i, bu_out, bi_out,
                    uidx_v, iidx_v, urows_v, irows_v, ub_v, ib_v,
                    sem_u, sem_i, sem_bu, sem_bi):
    wid = lax.axis_index("s") * _NC + lax.axis_index("c")
    base = wid * _BPW
    su = pltpu.async_copy(uid.at[pl.ds(base, _BPW)], uidx_v, sem_u)
    si = pltpu.async_copy(iid.at[pl.ds(base, _BPW)], iidx_v, sem_i)
    su.wait()
    gu = pltpu.async_copy(W_user.at[uidx_v], urows_v, sem_u)
    gbu = pltpu.async_copy(user_bias.at[uidx_v], ub_v, sem_bu)
    si.wait()
    gi = pltpu.async_copy(W_item.at[iidx_v], irows_v, sem_i)
    gbi = pltpu.async_copy(item_bias.at[iidx_v], ib_v, sem_bi)
    gu.wait()
    wu = pltpu.async_copy(urows_v, emb_u.at[pl.ds(base, _BPW)], sem_u)
    gi.wait()
    wi = pltpu.async_copy(irows_v, emb_i.at[pl.ds(base, _BPW)], sem_i)
    gbu.wait()
    wbu = pltpu.async_copy(ub_v, bu_out.at[pl.ds(base, _BPW)], sem_bu)
    gbi.wait()
    wbi = pltpu.async_copy(ib_v, bi_out.at[pl.ds(base, _BPW)], sem_bi)
    wu.wait()
    wi.wait()
    wbu.wait()
    wbi.wait()


@functools.cache
def _sc_gather():
    return pl.kernel(
        _sc_gather_body,
        out_type=[
            jax.ShapeDtypeStruct((_B, _F), jnp.float32),
            jax.ShapeDtypeStruct((_B, _F), jnp.float32),
            jax.ShapeDtypeStruct((_B,), jnp.float32),
            jax.ShapeDtypeStruct((_B,), jnp.float32),
        ],
        mesh=plsc.VectorSubcoreMesh(core_axis_name="c", subcore_axis_name="s"),
        scratch_types=[
            pltpu.VMEM((_BPW,), jnp.int32),
            pltpu.VMEM((_BPW,), jnp.int32),
            pltpu.VMEM((_BPW, _F), jnp.float32),
            pltpu.VMEM((_BPW, _F), jnp.float32),
            pltpu.VMEM((_BPW,), jnp.float32),
            pltpu.VMEM((_BPW,), jnp.float32),
            pltpu.SemaphoreType.DMA,
            pltpu.SemaphoreType.DMA,
            pltpu.SemaphoreType.DMA,
            pltpu.SemaphoreType.DMA,
        ],
    )


def _tc_fm_body(uf_ref, itf_ref, wu_ref, wi_ref, ufb_ref, ifb_ref,
                eu_ref, ei_ref, bu_ref, bi_ref, off_ref, out_ref):
    uf = uf_ref[...]
    itf = itf_ref[...]
    wu = wu_ref[...]
    wi = wi_ref[...]
    eu = eu_ref[...]
    ei = ei_ref[...]
    s = (eu + ei
         + jnp.dot(uf, wu, preferred_element_type=jnp.float32)
         + jnp.dot(itf, wi, preferred_element_type=jnp.float32))
    q = (eu * eu + ei * ei
         + jnp.dot(uf * uf, wu * wu, preferred_element_type=jnp.float32)
         + jnp.dot(itf * itf, wi * wi, preferred_element_type=jnp.float32))
    fm = 0.5 * jnp.sum(s * s - q, axis=-1)
    fb = (jnp.sum(uf * ufb_ref[...], axis=-1)
          + jnp.sum(itf * ifb_ref[...], axis=-1))
    out_ref[...] = fm + fb + bu_ref[...] + bi_ref[...] + off_ref[0]


def _tc_fm(user_feats, item_feats, W_ufeat, W_ifeat, ufb2, ifb2,
           emb_u, emb_i, bias_u, bias_i, offset):
    grid = _B // _BM
    return pl.pallas_call(
        _tc_fm_body,
        grid=(grid,),
        in_specs=[
            pl.BlockSpec((_BM, _NF), lambda i: (i, 0)),
            pl.BlockSpec((_BM, _NF), lambda i: (i, 0)),
            pl.BlockSpec((_NF, _F), lambda i: (0, 0)),
            pl.BlockSpec((_NF, _F), lambda i: (0, 0)),
            pl.BlockSpec((1, _NF), lambda i: (0, 0)),
            pl.BlockSpec((1, _NF), lambda i: (0, 0)),
            pl.BlockSpec((_BM, _F), lambda i: (i, 0)),
            pl.BlockSpec((_BM, _F), lambda i: (i, 0)),
            pl.BlockSpec((_BM,), lambda i: (i,)),
            pl.BlockSpec((_BM,), lambda i: (i,)),
            pl.BlockSpec(memory_space=pltpu.SMEM),
        ],
        out_specs=pl.BlockSpec((_BM,), lambda i: (i,)),
        out_shape=jax.ShapeDtypeStruct((_B,), jnp.float32),
    )(user_feats, item_feats, W_ufeat, W_ifeat, ufb2, ifb2,
      emb_u, emb_i, bias_u, bias_i, offset)


def kernel(user_ids, item_ids, user_feats, item_feats, W_user, W_item,
           W_ufeat, W_ifeat, user_bias, item_bias, user_feat_bias,
           item_feat_bias, offset):
    uid = user_ids.astype(jnp.int32)
    iid = item_ids.astype(jnp.int32)
    emb_u, emb_i, bias_u, bias_i = _sc_gather()(
        W_user, W_item, user_bias, item_bias, uid, iid)
    return _tc_fm(user_feats, item_feats, W_ufeat, W_ifeat,
                  user_feat_bias.reshape(1, _NF), item_feat_bias.reshape(1, _NF),
                  emb_u, emb_i, bias_u, bias_i, offset)

# --- scband reference (transcript-rebuilt; emitter-appended) ---
"""Pipeline reference for scband-fm-12412455485585 (READ-ONLY COPY).

The authoritative reference and input builder live on the scoring server;
editing this copy changes nothing except your own understanding.
"""

import jax, jax.numpy as jnp
import numpy as np

B = 4096
NUM_USERS = 100000
NUM_ITEMS = 100000
NUM_USER_FEATS = 100
NUM_ITEM_FEATS = 100
F = 128  # n_factors


def setup_inputs(seed: int = 0) -> dict:
    key = jax.random.key(seed)
    ks = jax.random.split(key, 10)
    # kaiming_normal_ mode='fan_out' on Embedding weight [num, dim]: fan_out = num -> std = sqrt(2/num)
    W_user = jax.random.normal(ks[0], (NUM_USERS, F), dtype=jnp.float32) * float(np.sqrt(2.0 / NUM_USERS))
    W_item = jax.random.normal(ks[1], (NUM_ITEMS, F), dtype=jnp.float32) * float(np.sqrt(2.0 / NUM_ITEMS))
    W_ufeat = jax.random.normal(ks[2], (NUM_USER_FEATS, F), dtype=jnp.float32) * float(np.sqrt(2.0 / NUM_USER_FEATS))
    W_ifeat = jax.random.normal(ks[3], (NUM_ITEM_FEATS, F), dtype=jnp.float32) * float(np.sqrt(2.0 / NUM_ITEM_FEATS))
    return {
        "user_ids": jax.random.randint(ks[4], (B,), 0, NUM_USERS, dtype=jnp.int64) if jax.config.jax_enable_x64 else jax.random.randint(ks[4], (B,), 0, NUM_USERS),
        "item_ids": jax.random.randint(ks[5], (B,), 0, NUM_ITEMS),
        "user_feats": jax.random.uniform(ks[6], (B, NUM_USER_FEATS), dtype=jnp.float32),
        "item_feats": jax.random.uniform(ks[7], (B, NUM_ITEM_FEATS), dtype=jnp.float32),
        "W_user": W_user,
        "W_item": W_item,
        "W_ufeat": W_ufeat,
        "W_ifeat": W_ifeat,
        "user_bias": jnp.zeros((NUM_USERS,), dtype=jnp.float32),
        "item_bias": jnp.zeros((NUM_ITEMS,), dtype=jnp.float32),
        "user_feat_bias": jnp.zeros((NUM_USER_FEATS,), dtype=jnp.float32),
        "item_feat_bias": jnp.zeros((NUM_ITEM_FEATS,), dtype=jnp.float32),
        "offset": jnp.zeros((1,), dtype=jnp.float32),
    }


def reference(user_ids, item_ids, user_feats, item_feats, W_user, W_item, W_ufeat, W_ifeat,
              user_bias, item_bias, user_feat_bias, item_feat_bias, offset):
    # noise_std = 0 path of FM.forward
    user_embs = jnp.take(W_user, user_ids, axis=0)[:, None, :]            # [B,1,F]
    item_embs = jnp.take(W_item, item_ids, axis=0)[:, None, :]            # [B,1,F]
    user_feat_embs = jnp.einsum('ij,ki->kij', W_ufeat, user_feats)        # [B,NUF,F]
    item_feat_embs = jnp.einsum('ij,ki->kij', W_ifeat, item_feats)        # [B,NIF,F]
    all_embs = jnp.concatenate([user_embs, item_embs, user_feat_embs, item_feat_embs], axis=1)
    pow_of_sum = jnp.sum(all_embs, axis=1) ** 2                            # [B,F]
    sum_of_pow = jnp.sum(all_embs ** 2, axis=1)                            # [B,F]
    fm_out = jnp.sum(pow_of_sum - sum_of_pow, axis=-1) * 0.5               # [B]
    feat_bias = jnp.concatenate([
        user_feat_bias[None, :] * user_feats,
        item_feat_bias[None, :] * item_feats,
    ], axis=-1)                                                            # [B,NUF+NIF]
    x_biases = jnp.concatenate([
        jnp.take(user_bias, user_ids)[:, None],
        jnp.take(item_bias, item_ids)[:, None],
        feat_bias,
    ], axis=-1).sum(axis=1)                                                # [B]
    return fm_out + x_biases + offset[0]

if __name__ == "__main__":
    import jax
    _d = setup_inputs()
    print(jax.jit(kernel)(*tuple(_d.values())))

</pallas_src>

<mosaic_0001>
#map = affine_map<(d0, d1) -> (0, 0)>
#map1 = affine_map<(d0, d1) -> (0)>
module attributes {stable_mosaic.version = 14 : i64} {
  func.func @_sc_gather_body(%arg0: i32, %arg1: i32, %arg2: memref<100000x128xf32, #tpu.memory_space<hbm>>, %arg3: memref<100000x128xf32, #tpu.memory_space<hbm>>, %arg4: memref<100000xf32, #tpu.memory_space<hbm>>, %arg5: memref<100000xf32, #tpu.memory_space<hbm>>, %arg6: memref<4096xi32, #tpu.memory_space<hbm>>, %arg7: memref<4096xi32, #tpu.memory_space<hbm>>, %arg8: memref<4096x128xf32, #tpu.memory_space<hbm>>, %arg9: memref<4096x128xf32, #tpu.memory_space<hbm>>, %arg10: memref<4096xf32, #tpu.memory_space<hbm>>, %arg11: memref<4096xf32, #tpu.memory_space<hbm>>, %arg12: memref<128xi32, #tpu.memory_space<vmem>>, %arg13: memref<128xi32, #tpu.memory_space<vmem>>, %arg14: memref<128x128xf32, #tpu.memory_space<vmem>>, %arg15: memref<128x128xf32, #tpu.memory_space<vmem>>, %arg16: memref<128xf32, #tpu.memory_space<vmem>>, %arg17: memref<128xf32, #tpu.memory_space<vmem>>, %arg18: memref<!tpu.dma_semaphore, #tpu.memory_space<semaphore_mem>>, %arg19: memref<!tpu.dma_semaphore, #tpu.memory_space<semaphore_mem>>, %arg20: memref<!tpu.dma_semaphore, #tpu.memory_space<semaphore_mem>>, %arg21: memref<!tpu.dma_semaphore, #tpu.memory_space<semaphore_mem>>) attributes {dimension_semantics = [#tpu.dimension_semantics<core_parallel>, #tpu.dimension_semantics<subcore_parallel>], iteration_bounds = array<i64: 2, 16>, scalar_prefetch = 0 : i64, scratch_operands = 10 : i64, tpu.core_type = #tpu.core_type<sc_vector_subcore>, window_params = [{transform_indices = #map}, {transform_indices = #map}, {transform_indices = #map1}, {transform_indices = #map1}, {transform_indices = #map1}, {transform_indices = #map1}, {transform_indices = #map}, {transform_indices = #map}, {transform_indices = #map1}, {transform_indices = #map1}]} {
    %mul3A = arith.constant 2 : i32
    %mul3A_0 = arith.muli %arg1, %mul3A : i32
    %add3A = arith.addi %mul3A_0, %arg0 : i32
    %mul3A_1 = arith.constant 128 : i32
    %mul3A_2 = arith.muli %add3A, %mul3A_1 : i32
    %dma_start3A = tpu.memref_slice %arg6[%mul3A_2] : memref<4096xi32, #tpu.memory_space<hbm>> -> memref<128xi32, #tpu.memory_space<hbm>>
    %dma_start3A_3 = tpu.memref_slice %arg6[%mul3A_2] : memref<4096xi32, #tpu.memory_space<hbm>> -> memref<128xi32, #tpu.memory_space<hbm>>
    tpu.enqueue_dma source(%dma_start3A_3 : memref<128xi32, #tpu.memory_space<hbm>>) target(%arg12 : memref<128xi32, #tpu.memory_space<vmem>>) target_semaphore(%arg18 : memref<!tpu.dma_semaphore, #tpu.memory_space<semaphore_mem>>)
    %dma_start3A_4 = tpu.memref_slice %arg7[%mul3A_2] : memref<4096xi32, #tpu.memory_space<hbm>> -> memref<128xi32, #tpu.memory_space<hbm>>
    %dma_start3A_5 = tpu.memref_slice %arg7[%mul3A_2] : memref<4096xi32, #tpu.memory_space<hbm>> -> memref<128xi32, #tpu.memory_space<hbm>>
    tpu.enqueue_dma source(%dma_start3A_5 : memref<128xi32, #tpu.memory_space<hbm>>) target(%arg13 : memref<128xi32, #tpu.memory_space<vmem>>) target_semaphore(%arg19 : memref<!tpu.dma_semaphore, #tpu.memory_space<semaphore_mem>>)
    %dma_wait3A = tpu.memref_slice %arg6[%mul3A_2] : memref<4096xi32, #tpu.memory_space<hbm>> -> memref<128xi32, #tpu.memory_space<hbm>>
    %dma_wait3A_6 = tpu.memref_slice %arg6[%mul3A_2] : memref<4096xi32, #tpu.memory_space<hbm>> -> memref<128xi32, #tpu.memory_space<hbm>>
    tpu.wait_dma2 semaphore(%arg18 : memref<!tpu.dma_semaphore, #tpu.memory_space<semaphore_mem>>) src(%dma_wait3A_6 : memref<128xi32, #tpu.memory_space<hbm>>) dst(%arg12 : memref<128xi32, #tpu.memory_space<vmem>>)
    %dma_start3A_7 = arith.constant 0 : i32
    %dma_start3A_8 = arith.constant 0 : i32
    %dma_start3A_9 = tpu.memref_slice %arg2[%dma_start3A_7, %dma_start3A_8] : memref<100000x128xf32, #tpu.memory_space<hbm>> -> memref<100000x128xf32, #tpu.memory_space<hbm>>
    tpu.enqueue_indirect_dma source(%dma_start3A_9 : memref<100000x128xf32, #tpu.memory_space<hbm>>) target(%arg14 : memref<128x128xf32, #tpu.memory_space<vmem>>) offsets(%arg12 : memref<128xi32, #tpu.memory_space<vmem>>) semaphore(%arg18 : memref<!tpu.dma_semaphore, #tpu.memory_space<semaphore_mem>>)
    %dma_start3A_10 = arith.constant 0 : i32
    %dma_start3A_11 = tpu.memref_slice %arg4[%dma_start3A_10] : memref<100000xf32, #tpu.memory_space<hbm>> -> memref<100000xf32, #tpu.memory_space<hbm>>
    tpu.enqueue_indirect_dma source(%dma_start3A_11 : memref<100000xf32, #tpu.memory_space<hbm>>) target(%arg16 : memref<128xf32, #tpu.memory_space<vmem>>) offsets(%arg12 : memref<128xi32, #tpu.memory_space<vmem>>) semaphore(%arg20 : memref<!tpu.dma_semaphore, #tpu.memory_space<semaphore_mem>>)
    %dma_wait3A_12 = tpu.memref_slice %arg7[%mul3A_2] : memref<4096xi32, #tpu.memory_space<hbm>> -> memref<128xi32, #tpu.memory_space<hbm>>
    %dma_wait3A_13 = tpu.memref_slice %arg7[%mul3A_2] : memref<4096xi32, #tpu.memory_space<hbm>> -> memref<128xi32, #tpu.memory_space<hbm>>
    tpu.wait_dma2 semaphore(%arg19 : memref<!tpu.dma_semaphore, #tpu.memory_space<semaphore_mem>>) src(%dma_wait3A_13 : memref<128xi32, #tpu.memory_space<hbm>>) dst(%arg13 : memref<128xi32, #tpu.memory_space<vmem>>)
    %dma_start3A_14 = arith.constant 0 : i32
    %dma_start3A_15 = arith.constant 0 : i32
    %dma_start3A_16 = tpu.memref_slice %arg3[%dma_start3A_14, %dma_start3A_15] : memref<100000x128xf32, #tpu.memory_space<hbm>> -> memref<100000x128xf32, #tpu.memory_space<hbm>>
    tpu.enqueue_indirect_dma source(%dma_start3A_16 : memref<100000x128xf32, #tpu.memory_space<hbm>>) target(%arg15 : memref<128x128xf32, #tpu.memory_space<vmem>>) offsets(%arg13 : memref<128xi32, #tpu.memory_space<vmem>>) semaphore(%arg19 : memref<!tpu.dma_semaphore, #tpu.memory_space<semaphore_mem>>)
    %dma_start3A_17 = arith.constant 0 : i32
    %dma_start3A_18 = tpu.memref_slice %arg5[%dma_start3A_17] : memref<100000xf32, #tpu.memory_space<hbm>> -> memref<100000xf32, #tpu.memory_space<hbm>>
    tpu.enqueue_indirect_dma source(%dma_start3A_18 : memref<100000xf32, #tpu.memory_space<hbm>>) target(%arg17 : memref<128xf32, #tpu.memory_space<vmem>>) offsets(%arg13 : memref<128xi32, #tpu.memory_space<vmem>>) semaphore(%arg21 : memref<!tpu.dma_semaphore, #tpu.memory_space<semaphore_mem>>)
    %dma_wait3A_19 = arith.constant 0 : i32
    %dma_wait3A_20 = arith.constant 0 : i32
    %dma_wait3A_21 = tpu.memref_slice %arg2[%dma_wait3A_19, %dma_wait3A_20] : memref<100000x128xf32, #tpu.memory_space<hbm>> -> memref<100000x128xf32, #tpu.memory_space<hbm>>
    tpu.wait_indirect_dma semaphore(%arg18 : memref<!tpu.dma_semaphore, #tpu.memory_space<semaphore_mem>>) src(%dma_wait3A_21 : memref<100000x128xf32, #tpu.memory_space<hbm>>) dst(%arg14 : memref<128x128xf32, #tpu.memory_space<vmem>>)
    %dma_start3A_22 = arith.constant 0 : i32
    %dma_start3A_23 = tpu.memref_slice %arg8[%mul3A_2, %dma_start3A_22] : memref<4096x128xf32, #tpu.memory_space<hbm>> -> memref<128x128xf32, #tpu.memory_space<hbm>>
    %dma_start3A_24 = arith.constant 0 : i32
    %dma_start3A_25 = tpu.memref_slice %arg8[%mul3A_2, %dma_start3A_24] : memref<4096x128xf32, #tpu.memory_space<hbm>> -> memref<128x128xf32, #tpu.memory_space<hbm>>
    tpu.enqueue_dma source(%arg14 : memref<128x128xf32, #tpu.memory_space<vmem>>) target(%dma_start3A_25 : memref<128x128xf32, #tpu.memory_space<hbm>>) target_semaphore(%arg18 : memref<!tpu.dma_semaphore, #tpu.memory_space<semaphore_mem>>)
    %dma_wait3A_26 = arith.constant 0 : i32
    %dma_wait3A_27 = arith.constant 0 : i32
    %dma_wait3A_28 = tpu.memref_slice %arg3[%dma_wait3A_26, %dma_wait3A_27] : memref<100000x128xf32, #tpu.memory_space<hbm>> -> memref<100000x128xf32, #tpu.memory_space<hbm>>
    tpu.wait_indirect_dma semaphore(%arg19 : memref<!tpu.dma_semaphore, #tpu.memory_space<semaphore_mem>>) src(%dma_wait3A_28 : memref<100000x128xf32, #tpu.memory_space<hbm>>) dst(%arg15 : memref<128x128xf32, #tpu.memory_space<vmem>>)
    %dma_start3A_29 = arith.constant 0 : i32
    %dma_start3A_30 = tpu.memref_slice %arg9[%mul3A_2, %dma_start3A_29] : memref<4096x128xf32, #tpu.memory_space<hbm>> -> memref<128x128xf32, #tpu.memory_space<hbm>>
    %dma_start3A_31 = arith.constant 0 : i32
    %dma_start3A_32 = tpu.memref_slice %arg9[%mul3A_2, %dma_start3A_31] : memref<4096x128xf32, #tpu.memory_space<hbm>> -> memref<128x128xf32, #tpu.memory_space<hbm>>
    tpu.enqueue_dma source(%arg15 : memref<128x128xf32, #tpu.memory_space<vmem>>) target(%dma_start3A_32 : memref<128x128xf32, #tpu.memory_space<hbm>>) target_semaphore(%arg19 : memref<!tpu.dma_semaphore, #tpu.memory_space<semaphore_mem>>)
    %dma_wait3A_33 = arith.constant 0 : i32
    %dma_wait3A_34 = tpu.memref_slice %arg4[%dma_wait3A_33] : memref<100000xf32, #tpu.memory_space<hbm>> -> memref<100000xf32, #tpu.memory_space<hbm>>
    tpu.wait_indirect_dma semaphore(%arg20 : memref<!tpu.dma_semaphore, #tpu.memory_space<semaphore_mem>>) src(%dma_wait3A_34 : memref<100000xf32, #tpu.memory_space<hbm>>) dst(%arg16 : memref<128xf32, #tpu.memory_space<vmem>>)
    %dma_start3A_35 = tpu.memref_slice %arg10[%mul3A_2] : memref<4096xf32, #tpu.memory_space<hbm>> -> memref<128xf32, #tpu.memory_space<hbm>>
    %dma_start3A_36 = tpu.memref_slice %arg10[%mul3A_2] : memref<4096xf32, #tpu.memory_space<hbm>> -> memref<128xf32, #tpu.memory_space<hbm>>
    tpu.enqueue_dma source(%arg16 : memref<128xf32, #tpu.memory_space<vmem>>) target(%dma_start3A_36 : memref<128xf32, #tpu.memory_space<hbm>>) target_semaphore(%arg20 : memref<!tpu.dma_semaphore, #tpu.memory_space<semaphore_mem>>)
    %dma_wait3A_37 = arith.constant 0 : i32
    %dma_wait3A_38 = tpu.memref_slice %arg5[%dma_wait3A_37] : memref<100000xf32, #tpu.memory_space<hbm>> -> memref<100000xf32, #tpu.memory_space<hbm>>
    tpu.wait_indirect_dma semaphore(%arg21 : memref<!tpu.dma_semaphore, #tpu.memory_space<semaphore_mem>>) src(%dma_wait3A_38 : memref<100000xf32, #tpu.memory_space<hbm>>) dst(%arg17 : memref<128xf32, #tpu.memory_space<vmem>>)
    %dma_start3A_39 = tpu.memref_slice %arg11[%mul3A_2] : memref<4096xf32, #tpu.memory_space<hbm>> -> memref<128xf32, #tpu.memory_space<hbm>>
    %dma_start3A_40 = tpu.memref_slice %arg11[%mul3A_2] : memref<4096xf32, #tpu.memory_space<hbm>> -> memref<128xf32, #tpu.memory_space<hbm>>
    tpu.enqueue_dma source(%arg17 : memref<128xf32, #tpu.memory_space<vmem>>) target(%dma_start3A_40 : memref<128xf32, #tpu.memory_space<hbm>>) target_semaphore(%arg21 : memref<!tpu.dma_semaphore, #tpu.memory_space<semaphore_mem>>)
    %dma_wait3A_41 = arith.constant 0 : i32
    %dma_wait3A_42 = tpu.memref_slice %arg8[%mul3A_2, %dma_wait3A_41] : memref<4096x128xf32, #tpu.memory_space<hbm>> -> memref<128x128xf32, #tpu.memory_space<hbm>>
    %dma_wait3A_43 = arith.constant 0 : i32
    %dma_wait3A_44 = tpu.memref_slice %arg8[%mul3A_2, %dma_wait3A_43] : memref<4096x128xf32, #tpu.memory_space<hbm>> -> memref<128x128xf32, #tpu.memory_space<hbm>>
    tpu.wait_dma2 semaphore(%arg18 : memref<!tpu.dma_semaphore, #tpu.memory_space<semaphore_mem>>) src(%arg14 : memref<128x128xf32, #tpu.memory_space<vmem>>) dst(%dma_wait3A_44 : memref<128x128xf32, #tpu.memory_space<hbm>>)
    %dma_wait3A_45 = arith.constant 0 : i32
    %dma_wait3A_46 = tpu.memref_slice %arg9[%mul3A_2, %dma_wait3A_45] : memref<4096x128xf32, #tpu.memory_space<hbm>> -> memref<128x128xf32, #tpu.memory_space<hbm>>
    %dma_wait3A_47 = arith.constant 0 : i32
    %dma_wait3A_48 = tpu.memref_slice %arg9[%mul3A_2, %dma_wait3A_47] : memref<4096x128xf32, #tpu.memory_space<hbm>> -> memref<128x128xf32, #tpu.memory_space<hbm>>
    tpu.wait_dma2 semaphore(%arg19 : memref<!tpu.dma_semaphore, #tpu.memory_space<semaphore_mem>>) src(%arg15 : memref<128x128xf32, #tpu.memory_space<vmem>>) dst(%dma_wait3A_48 : memref<128x128xf32, #tpu.memory_space<hbm>>)
    %dma_wait3A_49 = tpu.memref_slice %arg10[%mul3A_2] : memref<4096xf32, #tpu.memory_space<hbm>> -> memref<128xf32, #tpu.memory_space<hbm>>
    %dma_wait3A_50 = tpu.memref_slice %arg10[%mul3A_2] : memref<4096xf32, #tpu.memory_space<hbm>> -> memref<128xf32, #tpu.memory_space<hbm>>
    tpu.wait_dma2 semaphore(%arg20 : memref<!tpu.dma_semaphore, #tpu.memory_space<semaphore_mem>>) src(%arg16 : memref<128xf32, #tpu.memory_space<vmem>>) dst(%dma_wait3A_50 : memref<128xf32, #tpu.memory_space<hbm>>)
    %dma_wait3A_51 = tpu.memref_slice %arg11[%mul3A_2] : memref<4096xf32, #tpu.memory_space<hbm>> -> memref<128xf32, #tpu.memory_space<hbm>>
    %dma_wait3A_52 = tpu.memref_slice %arg11[%mul3A_2] : memref<4096xf32, #tpu.memory_space<hbm>> -> memref<128xf32, #tpu.memory_space<hbm>>
    tpu.wait_dma2 semaphore(%arg21 : memref<!tpu.dma_semaphore, #tpu.memory_space<semaphore_mem>>) src(%arg17 : memref<128xf32, #tpu.memory_space<vmem>>) dst(%dma_wait3A_52 : memref<128xf32, #tpu.memory_space<hbm>>)
    return
  }
}

module attributes {stable_mosaic.version = 14 : i64} {
  func.func @_tc_fm_body(%arg0: i32, %arg1: memref<1024x100xf32, #tpu.memory_space<vmem>>, %arg2: memref<1024x100xf32, #tpu.memory_space<vmem>>, %arg3: memref<100x128xf32, #tpu.memory_space<vmem>>, %arg4: memref<100x128xf32, #tpu.memory_space<vmem>>, %arg5: memref<1x100xf32, #tpu.memory_space<vmem>>, %arg6: memref<1x100xf32, #tpu.memory_space<vmem>>, %arg7: memref<1024x128xf32, #tpu.memory_space<vmem>>, %arg8: memref<1024x128xf32, #tpu.memory_space<vmem>>, %arg9: memref<1024xf32, #tpu.memory_space<vmem>>, %arg10: memref<1024xf32, #tpu.memory_space<vmem>>, %arg11: memref<1xf32, #tpu.memory_space<smem>>, %arg12: memref<1024xf32, #tpu.memory_space<vmem>>) attributes {dimension_semantics = [#tpu.dimension_semantics<arbitrary>], iteration_bounds = array<i64: 4>, scalar_prefetch = 0 : i64, scratch_operands = 0 : i64, tpu.core_type = #tpu.core_type<tc>, window_params = [{transform_indices = @transform_0, window_bounds = array<i64: 1024, 100>}, {transform_indices = @transform_1, window_bounds = array<i64: 1024, 100>}, {pipeline_mode = #tpu.pipeline_mode<synchronous>, transform_indices = @transform_2, window_bounds = array<i64: 100, 128>}, {pipeline_mode = #tpu.pipeline_mode<synchronous>, transform_indices = @transform_3, window_bounds = array<i64: 100, 128>}, {pipeline_mode = #tpu.pipeline_mode<synchronous>, transform_indices = @transform_4, window_bounds = array<i64: 1, 100>}, {pipeline_mode = #tpu.pipeline_mode<synchronous>, transform_indices = @transform_5, window_bounds = array<i64: 1, 100>}, {transform_indices = @transform_6, window_bounds = array<i64: 1024, 128>}, {transform_indices = @transform_7, window_bounds = array<i64: 1024, 128>}, {transform_indices = @transform_8, window_bounds = array<i64: 1024>}, {transform_indices = @transform_9, window_bounds = array<i64: 1024>}, {transform_indices = @transform_10, window_bounds = array<i64: 1>}, {transform_indices = @transform_11, window_bounds = array<i64: 1024>}]} {
    %get3A = arith.constant 0 : index
    %get3A_0 = arith.constant 0 : index
    %get3A_1 = vector.load %arg1[%get3A, %get3A_0] : memref<1024x100xf32, #tpu.memory_space<vmem>>, vector<1024x100xf32>
    %get3A_2 = arith.constant 0 : index
    %get3A_3 = arith.constant 0 : index
    %get3A_4 = vector.load %arg2[%get3A_2, %get3A_3] : memref<1024x100xf32, #tpu.memory_space<vmem>>, vector<1024x100xf32>
    %get3A_5 = arith.constant 0 : index
    %get3A_6 = arith.constant 0 : index
    %get3A_7 = vector.load %arg3[%get3A_5, %get3A_6] : memref<100x128xf32, #tpu.memory_space<vmem>>, vector<100x128xf32>
    %get3A_8 = arith.constant 0 : index
    %get3A_9 = arith.constant 0 : index
    %get3A_10 = vector.load %arg4[%get3A_8, %get3A_9] : memref<100x128xf32, #tpu.memory_space<vmem>>, vector<100x128xf32>
    %get3A_11 = arith.constant 0 : index
    %get3A_12 = arith.constant 0 : index
    %get3A_13 = vector.load %arg7[%get3A_11, %get3A_12] : memref<1024x128xf32, #tpu.memory_space<vmem>>, vector<1024x128xf32>
    %get3A_14 = arith.constant 0 : index
    %get3A_15 = arith.constant 0 : index
    %get3A_16 = vector.load %arg8[%get3A_14, %get3A_15] : memref<1024x128xf32, #tpu.memory_space<vmem>>, vector<1024x128xf32>
    %add3A = arith.addf %get3A_13, %get3A_16 : vector<1024x128xf32>
    %dot_general3A = arith.constant dense<0.000000e+00> : vector<1024x128xf32>
    %dot_general3A_17 = tpu.matmul %get3A_1, %get3A_7, %dot_general3A {dimension_numbers = #tpu.dot_dimension_numbers<[1], [0], [0], [1], [0, 0, 1, 1], [], []>, transpose_lhs_hint = false} : vector<1024x100xf32>, vector<100x128xf32>, vector<1024x128xf32> -> vector<1024x128xf32>
    %add3A_18 = arith.addf %add3A, %dot_general3A_17 : vector<1024x128xf32>
    %dot_general3A_19 = arith.constant dense<0.000000e+00> : vector<1024x128xf32>
    %dot_general3A_20 = tpu.matmul %get3A_4, %get3A_10, %dot_general3A_19 {dimension_numbers = #tpu.dot_dimension_numbers<[1], [0], [0], [1], [0, 0, 1, 1], [], []>, transpose_lhs_hint = false} : vector<1024x100xf32>, vector<100x128xf32>, vector<1024x128xf32> -> vector<1024x128xf32>
    %add3A_21 = arith.addf %add3A_18, %dot_general3A_20 : vector<1024x128xf32>
    %mul3A = arith.mulf %get3A_13, %get3A_13 : vector<1024x128xf32>
    %mul3A_22 = arith.mulf %get3A_16, %get3A_16 : vector<1024x128xf32>
    %add3A_23 = arith.addf %mul3A, %mul3A_22 : vector<1024x128xf32>
    %mul3A_24 = arith.mulf %get3A_1, %get3A_1 : vector<1024x100xf32>
    %mul3A_25 = arith.mulf %get3A_7, %get3A_7 : vector<100x128xf32>
    %dot_general3A_26 = arith.constant dense<0.000000e+00> : vector<1024x128xf32>
    %dot_general3A_27 = tpu.matmul %mul3A_24, %mul3A_25, %dot_general3A_26 {dimension_numbers = #tpu.dot_dimension_numbers<[1], [0], [0], [1], [0, 0, 1, 1], [], []>, transpose_lhs_hint = false} : vector<1024x100xf32>, vector<100x128xf32>, vector<1024x128xf32> -> vector<1024x128xf32>
    %add3A_28 = arith.addf %add3A_23, %dot_general3A_27 : vector<1024x128xf32>
    %mul3A_29 = arith.mulf %get3A_4, %get3A_4 : vector<1024x100xf32>
    %mul3A_30 = arith.mulf %get3A_10, %get3A_10 : vector<100x128xf32>
    %dot_general3A_31 = arith.constant dense<0.000000e+00> : vector<1024x128xf32>
    %dot_general3A_32 = tpu.matmul %mul3A_29, %mul3A_30, %dot_general3A_31 {dimension_numbers = #tpu.dot_dimension_numbers<[1], [0], [0], [1], [0, 0, 1, 1], [], []>, transpose_lhs_hint = false} : vector<1024x100xf32>, vector<100x128xf32>, vector<1024x128xf32> -> vector<1024x128xf32>
    %add3A_33 = arith.addf %add3A_28, %dot_general3A_32 : vector<1024x128xf32>
    %mul3A_34 = arith.mulf %add3A_21, %add3A_21 : vector<1024x128xf32>
    %sub3A = arith.subf %mul3A_34, %add3A_33 : vector<1024x128xf32>
    %reduce_sum3A = arith.constant dense<0.000000e+00> : vector<1024xf32>
    %reduce_sum3A_35 = vector.multi_reduction <add>, %sub3A, %reduce_sum3A [1] : vector<1024x128xf32> to vector<1024xf32>
    %mul3A_36 = arith.constant 5.000000e-01 : f32
    %mul3A_37 = vector.broadcast %mul3A_36 : f32 to vector<1024xf32>
    %mul3A_38 = arith.mulf %mul3A_37, %reduce_sum3A_35 : vector<1024xf32>
    %get3A_39 = arith.constant 0 : index
    %get3A_40 = arith.constant 0 : index
    %get3A_41 = vector.load %arg5[%get3A_39, %get3A_40] : memref<1x100xf32, #tpu.memory_space<vmem>>, vector<1x100xf32>
    %mul3A_42 = vector.broadcast %get3A_41 : vector<1x100xf32> to vector<1024x100xf32>
    %mul3A_43 = arith.mulf %get3A_1, %mul3A_42 : vector<1024x100xf32>
    %reduce_sum3A_44 = arith.constant dense<0.000000e+00> : vector<1024xf32>
    %reduce_sum3A_45 = vector.multi_reduction <add>, %mul3A_43, %reduce_sum3A_44 [1] : vector<1024x100xf32> to vector<1024xf32>
    %get3A_46 = arith.constant 0 : index
    %get3A_47 = arith.constant 0 : index
    %get3A_48 = vector.load %arg6[%get3A_46, %get3A_47] : memref<1x100xf32, #tpu.memory_space<vmem>>, vector<1x100xf32>
    %mul3A_49 = vector.broadcast %get3A_48 : vector<1x100xf32> to vector<1024x100xf32>
    %mul3A_50 = arith.mulf %get3A_4, %mul3A_49 : vector<1024x100xf32>
    %reduce_sum3A_51 = arith.constant dense<0.000000e+00> : vector<1024xf32>
    %reduce_sum3A_52 = vector.multi_reduction <add>, %mul3A_50, %reduce_sum3A_51 [1] : vector<1024x100xf32> to vector<1024xf32>
    %add3A_53 = arith.addf %reduce_sum3A_45, %reduce_sum3A_52 : vector<1024xf32>
    %add3A_54 = arith.addf %mul3A_38, %add3A_53 : vector<1024xf32>
    %get3A_55 = arith.constant 0 : index
    %get3A_56 = vector.load %arg9[%get3A_55] : memref<1024xf32, #tpu.memory_space<vmem>>, vector<1024xf32>
    %add3A_57 = arith.addf %add3A_54, %get3A_56 : vector<1024xf32>
    %get3A_58 = arith.constant 0 : index
    %get3A_59 = vector.load %arg10[%get3A_58] : memref<1024xf32, #tpu.memory_space<vmem>>, vector<1024xf32>
    %add3A_60 = arith.addf %add3A_57, %get3A_59 : vector<1024xf32>
    %get3A_61 = arith.constant 0 : index
    %get3A_62 = memref.load %arg11[%get3A_61] : memref<1xf32, #tpu.memory_space<smem>>
    %add3A_63 = vector.broadcast %get3A_62 : f32 to vector<1024xf32>
    %add3A_64 = arith.addf %add3A_60, %add3A_63 : vector<1024xf32>
    %swap3A = arith.constant 0 : index
    %swap3A_65 = vector.load %arg12[%swap3A] : memref<1024xf32, #tpu.memory_space<vmem>>, vector<1024xf32>
    tpu.vector_store %arg12[%swap3A], %add3A_64 {strides = array<i32>} : memref<1024xf32, #tpu.memory_space<vmem>>, vector<1024xf32>,
    return
  }
  func.func @transform_0(%arg0: i32) -> (i32, i32) {
    %c0_i32 = arith.constant 0 : i32
    %c0_i32_0 = arith.constant 0 : i32
    return %arg0, %c0_i32 : i32, i32
  }
  func.func @transform_1(%arg0: i32) -> (i32, i32) {
    %c0_i32 = arith.constant 0 : i32
    %c0_i32_0 = arith.constant 0 : i32
    return %arg0, %c0_i32 : i32, i32
  }
  func.func @transform_2(%arg0: i32) -> (i32, i32) {
    %c0_i32 = arith.constant 0 : i32
    %c0_i32_0 = arith.constant 0 : i32
    %c0_i32_1 = arith.constant 0 : i32
    return %c0_i32, %c0_i32_0 : i32, i32
  }
  func.func @transform_3(%arg0: i32) -> (i32, i32) {
    %c0_i32 = arith.constant 0 : i32
    %c0_i32_0 = arith.constant 0 : i32
    %c0_i32_1 = arith.constant 0 : i32
    return %c0_i32, %c0_i32_0 : i32, i32
  }
  func.func @transform_4(%arg0: i32) -> (i32, i32) {
    %c0_i32 = arith.constant 0 : i32
    %c0_i32_0 = arith.constant 0 : i32
    %c0_i32_1 = arith.constant 0 : i32
    return %c0_i32, %c0_i32_0 : i32, i32
  }
  func.func @transform_5(%arg0: i32) -> (i32, i32) {
    %c0_i32 = arith.constant 0 : i32
    %c0_i32_0 = arith.constant 0 : i32
    %c0_i32_1 = arith.constant 0 : i32
    return %c0_i32, %c0_i32_0 : i32, i32
  }
  func.func @transform_6(%arg0: i32) -> (i32, i32) {
    %c0_i32 = arith.constant 0 : i32
    %c0_i32_0 = arith.constant 0 : i32
    return %arg0, %c0_i32 : i32, i32
  }
  func.func @transform_7(%arg0: i32) -> (i32, i32) {
    %c0_i32 = arith.constant 0 : i32
    %c0_i32_0 = arith.constant 0 : i32
    return %arg0, %c0_i32 : i32, i32
  }
  func.func @transform_8(%arg0: i32) -> i32 {
    %c0_i32 = arith.constant 0 : i32
    return %arg0 : i32
  }
  func.func @transform_9(%arg0: i32) -> i32 {
    %c0_i32 = arith.constant 0 : i32
    return %arg0 : i32
  }
  func.func @transform_10(%arg0: i32) -> i32 {
    %c0_i32 = arith.constant 0 : i32
    %c0_i32_0 = arith.constant 0 : i32
    return %c0_i32 : i32
  }
  func.func @transform_11(%arg0: i32) -> i32 {
    %c0_i32 = arith.constant 0 : i32
    return %arg0 : i32
  }
}

</mosaic_0001>

<sc_bundles>
// kernel: kernel.4.cloned.1.call-start
scs
__scs_entry_jumppad:
0x0: {  	(pc) =	sbr.rel $0x88, $3  }
0x1: {  	(tag) =	ssettag $0x0;
	lr =	simm.s32 $0x1  }
0x2: {  	[smem:$0x3F94] =	sst lr;
	_ =	strace $0xD0000000  }
0x3: {  	_ = 	snop  }
0x4: {  	_ = 	snop  }
0x5: {  	_ = 	snop  }
0x6: {  	_ = 	snop  }
0x7: {  	_ = 	snop  }
__scs_overlays_trampoline_lowered:
0x8: {  	[smem:$0x3FA3] =	sst s0  }
0x9: {  	[smem:$0x3FA4] =	sst s1  }
0xa: {  	[smem:$0x3FA5] =	sst s2  }
0xb: {  	[smem:$0x3FA6] =	sst s3  }
0xc: {  	[smem:$0x3FA7] =	sst s4  }
0xd: {  	[smem:$0x3FA8] =	sst s5  }
0xe: {  	[smem:$0x3FA9] =	sst s6  }
0xf: {  	[smem:$0x3FAA] =	sst s7  }
0x10: {  	[smem:$0x3FAB] =	sst s8  }
0x11: {  	[smem:$0x3FAC] =	sst s9;
	s0 =	simm.s32 @!p0 $0x0  }
0x12: {  	s1 =	sld [smem:$0x3F92];
	s0 =	simm.s32 @p0 $0x1  }
0x13: {  	[smem:$0x3FAD] =	sst s0;
	s0 =	simm.s32 @!p1 $0x0  }
0x14: {  	s2 =	sld [smem:$0x3F91];
	s0 =	simm.s32 @p1 $0x1  }
0x15: {  	[smem:$0x3FAE] =	sst s0;
	s0 =	simm.s32 @!p2 $0x0  }
0x16: {  	s3 =	sld [smem:$0x3FDB];
	s0 =	simm.s32 @p2 $0x1  }
0x17: {  	s4 =	simm.s32 $0x1BF5;
	[smem:$0x3FB0] =	sst s0  }
0x18: {  	s0 =	sld [smem:$0x3F93];
	_ =	swait.ge [sflag:s4], $0x0  }
0x19: {  	s7 =	sld [smem:$0x3F94]  }
0x1a: {  	s8 =	sadd.s32 $0xFFFFE003, lr  }
0x1b: {  	s9 =	sadd.s32 $0xFFFFFEF7, lr;
	s5 =	simm.s32 $0xFFFFFFFF;
	p2 =	slt.u32 s8, $0xFFFFF086  }
0x1c: {  	p1 =	slt.u32 s9, $0xF7A;
	s5 =	simm.s32 @!p2 $0x0  }
0x1d: {  	s5 =	simm.s32 @p1 $0x1;
	p0 =	seq.s32 s7, s2  }
0x1e: {  	s7 =	smul.u32 @!p0 $0xF7A, s2;
	p2 =	seq.s32 @!p0 s5, $0x0  }
0x1f: {  	s9 =	smul.u32 $0xF7A, s1;
	s8 =	simm.s32 @!p0 $0x1BF5;
	p2 =	por !p2, p0  }
0x20: {  	[sflag:s8] =	ssyncset.s32 @!p0 $0xFFFFF086;
	s6 =	sadd.s32 @!p0 s3, s7;
	s7 =	simm.s32 @!p0 $0x108  }
0x21: {  	s3 =	sadd.s32 s3, s9;
	s6 =	sadd.s32 @!p0 $0x88, s6;
	s7 =	simm.s32 @p2 $0x1082  }
0x22: {  	[simem:s7], [sflag:s8] =	dma.local @!p0 [hbm:s6], $0xF7A  }
0x23: {  	s9 =	sor.u32 $0xD0000000, s2;
	s6 =	simm.s32 $0x108;
	_ =	swait.ge @!p0 [sflag:s8], $0x0  }
0x24: {  	s3 =	sadd.s32 $0x88, s3;
	s6 =	simm.s32 @!p1 $0x1082;
	[sflag:s4] =	ssyncset.s32 $0xFFFFF086  }
0x25: {  	[simem:s6], [sflag:s4] =	dma.local [hbm:s3], $0xF7A  }
0x26: {  	[smem:$0x3F94] =	sst s1;
	(tag) =	ssettag s2;
	_ =	strace s9  }
0x27: {  	s1 =	sld [smem:$0x3FA4]  }
0x28: {  	s2 =	sld [smem:$0x3FA5]  }
0x29: {  	s4 =	sld [smem:$0x3FA7]  }
0x2a: {  	p0 =	seq.s32 s5, $0x0;
	s5 =	sld [smem:$0x3FA8]  }
0x2b: {  	s6 =	sld [smem:$0x3FA9]  }
0x2c: {  	s7 =	sld [smem:$0x3FAA]  }
0x2d: {  	s3 =	simm.s32 $0x108;
	s8 =	sld [smem:$0x3FAB]  }
0x2e: {  	s3 =	simm.s32 @!p0 $0x1082;
	s9 =	sld [smem:$0x3FAC]  }
0x2f: {  	lr =	sadd.s32 s0, s3;
	s0 =	sld [smem:$0x3FA3]  }
0x30: {  	s3 =	sld [smem:$0x3FA6]  }
0x31: {  	[smem:$0x3FAF] =	sst s10  }
0x32: {  	s10 =	sld [smem:$0x3FAD];
	_ =	sdelay $0x3  }
0x33: {  	p0 =	seq.s32 s10, $0x1;
	s10 =	sld [smem:$0x3FAF];
	_ =	sdelay $0x3  }
0x34: {  	[smem:$0x3FAF] =	sst s10  }
0x35: {  	s10 =	sld [smem:$0x3FAE];
	_ =	sdelay $0x3  }
0x36: {  	p1 =	seq.s32 s10, $0x1;
	s10 =	sld [smem:$0x3FAF];
	_ =	sdelay $0x3  }
0x37: {  	[smem:$0x3FAF] =	sst s10  }
0x38: {  	s10 =	sld [smem:$0x3FB0]  }
0x39: {  	_ = 	snop;
	(pc) =	sbr.ind lr, $3  }
0x3a: {  	_ = 	snop  }
0x3b: {  	_ = 	snop  }
0x3c: {  	p2 =	seq.s32 s10, $0x1;
	s10 =	sld [smem:$0x3FAF]  }
0x3d: {  	_ =	shalt  }
0x3e: {  	_ =	shalt  }
0x3f: {  	_ =	shalt  }
0x40: {  	_ =	shalt  }
0x41: {  	_ =	shalt  }
0x42: {  	_ =	shalt  }
0x43: {  	_ =	shalt  }
0x44: {  	_ =	shalt  }
0x45: {  	_ =	shalt  }
0x46: {  	_ =	shalt  }
0x47: {  	_ =	shalt  }
0x48: {  	_ =	shalt  }
0x49: {  	_ =	shalt  }
0x4a: {  	_ =	shalt  }
0x4b: {  	_ =	shalt  }
0x4c: {  	_ =	shalt  }
0x4d: {  	_ =	shalt  }
0x4e: {  	_ =	shalt  }
0x4f: {  	_ =	shalt  }
0x50: {  	_ =	shalt  }
0x51: {  	_ =	shalt  }
0x52: {  	_ =	shalt  }
0x53: {  	_ =	shalt  }
0x54: {  	_ =	shalt  }
0x55: {  	_ =	shalt  }
0x56: {  	_ =	shalt  }
0x57: {  	_ =	shalt  }
0x58: {  	_ =	shalt  }
0x59: {  	_ =	shalt  }
0x5a: {  	_ =	shalt  }
0x5b: {  	_ =	shalt  }
0x5c: {  	_ =	shalt  }
0x5d: {  	_ =	shalt  }
0x5e: {  	_ =	shalt  }
0x5f: {  	_ =	shalt  }
0x60: {  	_ =	shalt  }
0x61: {  	_ =	shalt  }
0x62: {  	_ =	shalt  }
0x63: {  	_ =	shalt  }
0x64: {  	_ =	shalt  }
0x65: {  	_ =	shalt  }
0x66: {  	_ =	shalt  }
0x67: {  	_ =	shalt  }
0x68: {  	_ =	shalt  }
0x69: {  	_ =	shalt  }
0x6a: {  	_ =	shalt  }
0x6b: {  	_ =	shalt  }
0x6c: {  	_ =	shalt  }
0x6d: {  	_ =	shalt  }
0x6e: {  	_ =	shalt  }
0x6f: {  	_ =	shalt  }
0x70: {  	_ =	shalt  }
0x71: {  	_ =	shalt  }
0x72: {  	_ =	shalt  }
0x73: {  	_ =	shalt  }
0x74: {  	_ =	shalt  }
0x75: {  	_ =	shalt  }
0x76: {  	_ =	shalt  }
0x77: {  	_ =	shalt  }
0x78: {  	_ =	shalt  }
0x79: {  	_ =	shalt  }
0x7a: {  	_ =	shalt  }
0x7b: {  	_ =	shalt  }
0x7c: {  	_ =	shalt  }
0x7d: {  	_ =	shalt  }
0x7e: {  	_ =	shalt  }
0x7f: {  	_ =	shalt  }
0x80: {  	_ =	shalt  }
0x81: {  	_ =	shalt  }
0x82: {  	_ =	shalt  }
0x83: {  	_ =	shalt  }
0x84: {  	_ =	shalt  }
0x85: {  	_ =	shalt  }
0x86: {  	_ =	shalt  }
0x87: {  	_ =	shalt  }
.Lfunc_end0:
.L_simem_size_0:
called_computation_lowered:
.L_overlay_start_0:
0x88: {  	s2 =	sld [smem:$0x3FD9]  }
0x89: {  	s3 =	sld [smem:$0x3FFE];
	_ =	sdelay $0x1  }
0x8a: {  	s1 =	srdreg.scid  }
0x8b: {  	s0 =	sand.u32 $0x1, s1  }
0x8c: {  	s17 =	sshll.u32 s0, $0xA;
	s2 =	sadd.s32 s3, s2  }
0x8d: {  	s2 =	sadd.s32 s2, s17  }
0x8e: {  	[smem:$0x3FBB] =	sst s2  }
0x8f: {  	_ = 	snop  }
0x90: {  	s2 =	sld [smem:$0x3FC9]  }
0x91: {  	s18 =	sld [smem:$0x3FC8]  }
0x92: {  	s4 =	sld [smem:$0x3FC5]  }
0x93: {  	s5 =	sld [smem:$0x3FC4]  }
0x94: {  	s6 =	sld [smem:$0x3FC1]  }
0x95: {  	s7 =	sld [smem:$0x3FC0]  }
0x96: {  	s8 =	sld [smem:$0x3FD0];
	(tm) =	ssettm $0x1  }
0x97: {  	s9 =	sld [smem:$0x3FFB];
	_ =	sdelay $0x3  }
0x98: {  	_ =	strace s9  }
0x99: {  	s9 =	sld [smem:$0x3FFC];
	_ =	sdelay $0x3  }
0x9a: {  	_ =	strace s9  }
0x9b: {  	s9 =	sld [smem:$0x3FFD];
	_ =	sdelay $0x3  }
0x9c: {  	_ =	strace s9  }
0x9d: {  	_ =	strace $0x8FFFFFFF  }
0x9e: {  	s19 =	sld [smem:$0x3FDB];
	_ =	sdelay $0x1  }
0x9f: {  	s10 =	simm.s32 $_scs_section_size  }
0xa0: {  	s11 =	simm.s32 $_size__tile_overlayer_lowered;
	s12 =	simm.s32 $_tile_overlayer_lowered  }
0xa1: {  	s22 =	simm.s32 $0x1BFF;
	s21 =	sshll.u32 s12, $0x1;
	s9 =	sadd.s32 s10, s19  }
0xa2: {  	s13 =	simm.s32 $0x0;
	s20 =	sshll.u32 s11, $0x1;
	s11 =	sadd.s32 s21, s9  }
0xa3: {  	[timem:s13], [sflag:s22] =	dma.local [hbm:s11], s20  }
0xa4: {  	_ =	swait.ge [sflag:s22], s20  }
0xa5: {  	s10 =	ssub.s32 $0x0, s20;
	[sflag:s22] =	ssyncset.done $0x0  }
0xa6: {  	[sflag:s22] =	ssyncadd.s32 s10;
	_ =	sdelay $0x1  }
0xa7: {  	s23 =	simm.s32 $0x1B8B  }
0xa8: {  	_ =	swait.ge [sflag:s23], $0x1  }
0xa9: {  	[sflag:s23] =	ssyncset.done $0x0  }
0xaa: {  	s25 =	simm.s32 $0x1B8E;
	s24 =	sld [smem:$0x3FFE];
	[sflag:s23] =	ssyncadd.s32 $0xFFFFFFFF  }
0xab: {  	s26 =	simm.s32 $execute0_lowered;
	[smem:$0x3FD2] =	sst s25  }
0xac: {  	s11 =	sshll.u32 s26, $0x1;
	_ =	strace $0x80000046;
	[dreg:$0x1] =	wrdreg $0xFFFFFFFF  }
0xad: {  	s28 =	simm.s32 $_size_execute0_lowered;
	s9 =	sadd.s32 s9, s11;
	[dreg:$0x0] =	wrdreg $0x0  }
0xae: {  	s11 =	sshll.u32 s28, $0x1;
	[dreg:$0x2] =	wrdreg s9  }
0xaf: {  	[dreg:$0x3] =	wrdreg s11  }
0xb0: {  	[dreg:$0x4] =	wrdreg $0xC0  }
0xb1: {  	_ =	task [dreg:s13], $0x5FFFF  }
0xb2: {  	[dreg:$0x1] =	wrdreg $0xFFFFFFFF  }
0xb3: {  	[dreg:$0x0] =	wrdreg $0x60  }
0xb4: {  	[dreg:$0x2] =	wrdreg s4  }
0xb5: {  	[dreg:$0x3] =	wrdreg s5  }
0xb6: {  	[dreg:$0x4] =	wrdreg s6  }
0xb7: {  	[dreg:$0x5] =	wrdreg s7  }
0xb8: {  	[dreg:$0x6] =	wrdreg s2  }
0xb9: {  	[dreg:$0x7] =	wrdreg s18  }
0xba: {  	[dreg:$0x8] =	wrdreg s24  }
0xbb: {  	[dreg:$0x9] =	wrdreg s8  }
0xbc: {  	[dreg:$0xa] =	wrdreg $0x9  }
0xbd: {  	_ =	task.clear_ibuf [dreg:s13], $0xBFFFF;
	_ =	strace $0x90000046  }
0xbe: {  	s29 =	simm.s32 $0x9;
	_ =	strace $0x80000048  }
0xbf: {  	_ =	swait.ge [sflag:s29], $0x1  }
0xc0: {  	[sflag:s29] =	ssyncadd.s32 $0xFFFFFFFF  }
0xc1: {  	_ =	strace $0x90000048  }
0xc2: {  	_ =	sfence  }
0xc3: {  	s30 =	sld [smem:$0x0];
	_ =	sdelay $0x2  }
0xc4: {  	s31 =	sshll.u32 s1, $0xD;
	s1 =	sshrl.u32 s1, $0x2  }
0xc5: {  	s3 =	sand.u32 $0x4000, s31;
	s1 =	sadd.s32 s1, s30  }
0xc6: {  	s0 =	sor.u32 s3, s0;
	s1 =	sshll.u32 s1, $0x11  }
0xc7: {  	s0 =	sor.u32 s1, s0  }
0xc8: {  	s0 =	sadd.s32 $0x8F2B, s0  }
0xc9: {  	[sflag:s0] =	ssyncadd.remote.s32 $0x1  }
0xca: {  	_ =	sfence.sel $0xFFFF  }
0xcb: {  	[dreg:$0x0] =	wrdreg $0xFFFFFFFF;
	(pc) =	sbr.abs _section_cstart, $3  }
0xcc: {  	[dreg:$0x1] =	wrdreg $0xFFFFFFFF  }
0xcd: {  	_ =	task.clear_ibuf [dreg:s13], $0x2FFFF;
	_ =	strace $0x9FFFFFFF  }
0xce: {  	(tm) =	ssettm $0x7FFFFFFF  }
0xcf: {  	_ =	shalt  }
tec
execute0_lowered:
.L_overlay_start_1:
0x0: {  	(tag) =	ssettag $0x1  }
0x1: {  	s0 =	rddreg [dreg:$0x0]  }
0x2: {  	s1 =	rddreg [dreg:$0x1]  }
0x3: {  	s2 =	rddreg [dreg:$0x2]  }
0x4: {  	s4 =	rddreg [dreg:$0x3]  }
0x5: {  	s7 =	rddreg [dreg:$0x4];
	s5 =	srdreg.scid  }
0x6: {  	s8 =	rddreg [dreg:$0x5];
	s3 =	stileid.u32;
	s22 =	sand.u32 $0x1, s5  }
0x7: {  	s21 =	rddreg [dreg:$0x6];
	s9 =	sshll.u32 s3, $0x8;
	s10 =	sshll.u32 s22, $0x7  }
0x8: {  	s19 =	rddreg [dreg:$0x7];
	s6 =	simm.s32 $0x0;
	s16 =	sor.u32 s10, s9  }
0x9: {  	[smem:$0x7FF] =	sst s6;
	s23 =	sshrl.u32 s16, $0x3  }
0xa: {  	s5 =	rddreg [dreg:$0x8];
	_ =	strace $0x80000047;
	s7 =	sadd.s32 s7, s23  }
0xb: {  	[tilespmem:s6], [sflag:$0x1] =	stream.linear.gather [hbm4b:s7+s6], $0x80, $0x38;
	[tilespmem:$0x8200] =	vst v63  }
0xc: {  	s9 =	simm.s32 $0x80;
	s10 =	simm.s32 $0x1;
	s8 =	sadd.s32 s8, s23  }
0xd: {  	[tilespmem:s9], [sflag:$0x2] =	stream.linear.gather [hbm4b:s8+s6], $0x80, $0x38;
	[tilespmem:$0x8200] =	vst v63  }
0xe: {  	_ =	swait.ge [sflag:s10], $0x80  }
0xf: {  	[sflag:s10] =	ssyncset.done $0x0  }
0x10: {  	s11 =	simm.s32 $0x100;
	[sflag:s10] =	ssyncadd.s32 $0xFFFFFF80  }
0x11: {  	[tilespmem:s11], [sflag:$0x1] =	stream.indirect.gather [hbm4b:s0+s9], $0x80, s6, s9, $0xb8;
	[tilespmem:$0x8200] =	vst v63  }
0x12: {  	s12 =	simm.s32 $0x8100;
	s13 =	simm.s32 $0x2  }
0x13: {  	[tilespmem:s12], [sflag:$0x3] =	stream.indirect.gather [hbm4b:s2+s9], $0x1, s6, s9, $0xb8;
	[tilespmem:$0x8200] =	vst v63  }
0x14: {  	_ =	swait.ge [sflag:s13], $0x80  }
0x15: {  	[sflag:s13] =	ssyncset.done $0x0  }
0x16: {  	s14 =	simm.s32 $0x4100;
	[sflag:s13] =	ssyncadd.s32 $0xFFFFFF80  }
0x17: {  	[tilespmem:s14], [sflag:$0x2] =	stream.indirect.gather [hbm4b:s1+s9], $0x80, s9, s9, $0xb8;
	[tilespmem:$0x8200] =	vst v63  }
0x18: {  	s15 =	simm.s32 $0x8180  }
0x19: {  	[tilespmem:s15], [sflag:$0x4] =	stream.indirect.gather [hbm4b:s4+s9], $0x1, s9, s9, $0xb8;
	[tilespmem:$0x8200] =	vst v63  }
0x1a: {  	s16 =	sshll.u32 s16, $0x4;
	_ =	swait.ge [sflag:s10], $0x4000  }
0x1b: {  	s17 =	sadd.s32 s16, s21;
	[sflag:s10] =	ssyncset.done $0x0  }
0x1c: {  	s16 =	sadd.s32 $0x1C00, s17;
	[sflag:s10] =	ssyncadd.s32 $0xFFFFC000  }
0x1d: {  	[hbm4b:s16+s6] =	stream.linear.scatter [tilespmem:s11], [sflag:$0x1], $0x4000, $0x38;
	[tilespmem:$0x8200] =	vst v63  }
0x1e: {  	_ =	swait.ge [sflag:s13], $0x4000  }
0x1f: {  	[sflag:s13] =	ssyncset.done $0x0  }
0x20: {  	s18 =	simm.s32 $0x3;
	s17 =	sadd.s32 $0x11C00, s17;
	[sflag:s13] =	ssyncadd.s32 $0xFFFFC000  }
0x21: {  	[hbm4b:s17+s6] =	stream.linear.scatter [tilespmem:s14], [sflag:$0x2], $0x4000, $0x38;
	[tilespmem:$0x8200] =	vst v63  }
0x22: {  	_ =	swait.ge [sflag:s18], $0x80  }
0x23: {  	[sflag:s18] =	ssyncset.done $0x0  }
0x24: {  	s20 =	sadd.s32 s19, s23;
	s19 =	simm.s32 $0x4;
	[sflag:s18] =	ssyncadd.s32 $0xFFFFFF80  }
0x25: {  	[hbm4b:s20+s6] =	stream.linear.scatter [tilespmem:s12], [sflag:$0x3], $0x80, $0x38;
	[tilespmem:$0x8200] =	vst v63  }
0x26: {  	_ =	swait.ge [sflag:s19], $0x80  }
0x27: {  	s21 =	sadd.s32 s23, s21;
	[sflag:s19] =	ssyncset.done $0x0  }
0x28: {  	s21 =	sadd.s32 $0x21C00, s21;
	[sflag:s19] =	ssyncadd.s32 $0xFFFFFF80  }
0x29: {  	[hbm4b:s21+s6] =	stream.linear.scatter [tilespmem:s15], [sflag:$0x4], $0x80, $0x38;
	[tilespmem:$0x8200] =	vst v63  }
0x2a: {  	_ =	swait.ge [sflag:s10], $0x4000  }
0x2b: {  	s22 =	ssub.s32 $0x2, s22;
	[sflag:s10] =	ssyncset.done $0x0  }
0x2c: {  	s31 =	sshrl.u32 s22, $0x1;
	[sflag:s10] =	ssyncadd.s32 $0xFFFFC000  }
0x2d: {  	s22 =	ssub.s32 s22, s31;
	_ =	swait.ge [sflag:s13], $0x4000  }
0x2e: {  	s22 =	smax.u32 s22, $0x1;
	[sflag:s13] =	ssyncset.done $0x0  }
0x2f: {  	p0 =	sne.s32 s22, $0x1;
	[sflag:s13] =	ssyncadd.s32 $0xFFFFC000  }
.Ltmp0:
0x30: {  	_ =	swait.ge [sflag:s18], $0x80;
	(pc) =	sbr.rel @!p0 .LBB2_2-.Ltmp0, $4  }
0x31: {  	[sflag:s18] =	ssyncset.done $0x0  }
0x32: {  	[sflag:s18] =	ssyncadd.s32 $0xFFFFFF80  }
0x33: {  	_ =	swait.ge [sflag:s19], $0x80  }
0x34: {  	s22 =	sadd.s32 $0xFFFFFFFF, s22;
	[sflag:s19] =	ssyncset.done $0x0  }
.LBB2_1:
0x35: {  	p0 =	sne.s32 s22, $0x1;
	s22 =	sadd.s32 $0xFFFFFFFF, s22;
	[sflag:s19] =	ssyncadd.s32 $0xFFFFFF80  }
0x36: {  	[tilespmem:s6], [sflag:$0x1] =	stream.linear.gather [hbm4b:s7+s6], $0x80, $0x38;
	[tilespmem:$0x8200] =	vst v63  }
0x37: {  	_ = 	snop  }
0x38: {  	[tilespmem:s9], [sflag:$0x2] =	stream.linear.gather [hbm4b:s8+s6], $0x80, $0x38;
	[tilespmem:$0x8200] =	vst v63  }
0x39: {  	_ =	swait.ge [sflag:s10], $0x80  }
0x3a: {  	[sflag:s10] =	ssyncset.done $0x0  }
0x3b: {  	[sflag:s10] =	ssyncadd.s32 $0xFFFFFF80  }
0x3c: {  	[tilespmem:s11], [sflag:$0x1] =	stream.indirect.gather [hbm4b:s0+s9], $0x80, s6, s9, $0xb8;
	[tilespmem:$0x8200] =	vst v63  }
0x3d: {  	_ = 	snop  }
0x3e: {  	[tilespmem:s12], [sflag:$0x3] =	stream.indirect.gather [hbm4b:s2+s9], $0x1, s6, s9, $0xb8;
	[tilespmem:$0x8200] =	vst v63  }
0x3f: {  	_ =	swait.ge [sflag:s13], $0x80  }
0x40: {  	[sflag:s13] =	ssyncset.done $0x0  }
0x41: {  	[sflag:s13] =	ssyncadd.s32 $0xFFFFFF80  }
0x42: {  	[tilespmem:s14], [sflag:$0x2] =	stream.indirect.gather [hbm4b:s1+s9], $0x80, s9, s9, $0xb8;
	[tilespmem:$0x8200] =	vst v63  }
0x43: {  	_ = 	snop  }
0x44: {  	[tilespmem:s15], [sflag:$0x4] =	stream.indirect.gather [hbm4b:s4+s9], $0x1, s9, s9, $0xb8;
	[tilespmem:$0x8200] =	vst v63  }
0x45: {  	_ =	swait.ge [sflag:s10], $0x4000  }
0x46: {  	[sflag:s10] =	ssyncset.done $0x0  }
0x47: {  	[sflag:s10] =	ssyncadd.s32 $0xFFFFC000  }
0x48: {  	[hbm4b:s16+s6] =	stream.linear.scatter [tilespmem:s11], [sflag:$0x1], $0x4000, $0x38;
	[tilespmem:$0x8200] =	vst v63  }
0x49: {  	_ =	swait.ge [sflag:s13], $0x4000  }
0x4a: {  	[sflag:s13] =	ssyncset.done $0x0  }
0x4b: {  	[sflag:s13] =	ssyncadd.s32 $0xFFFFC000  }
0x4c: {  	[hbm4b:s17+s6] =	stream.linear.scatter [tilespmem:s14], [sflag:$0x2], $0x4000, $0x38;
	[tilespmem:$0x8200] =	vst v63  }
0x4d: {  	_ =	swait.ge [sflag:s18], $0x80  }
0x4e: {  	[sflag:s18] =	ssyncset.done $0x0  }
0x4f: {  	[sflag:s18] =	ssyncadd.s32 $0xFFFFFF80  }
0x50: {  	[hbm4b:s20+s6] =	stream.linear.scatter [tilespmem:s12], [sflag:$0x3], $0x80, $0x38;
	[tilespmem:$0x8200] =	vst v63  }
0x51: {  	_ =	swait.ge [sflag:s19], $0x80  }
0x52: {  	[sflag:s19] =	ssyncset.done $0x0  }
0x53: {  	[sflag:s19] =	ssyncadd.s32 $0xFFFFFF80  }
0x54: {  	[hbm4b:s21+s6] =	stream.linear.scatter [tilespmem:s15], [sflag:$0x4], $0x80, $0x38;
	[tilespmem:$0x8200] =	vst v63  }
0x55: {  	_ =	swait.ge [sflag:s10], $0x4000  }
0x56: {  	[sflag:s10] =	ssyncset.done $0x0  }
0x57: {  	[sflag:s10] =	ssyncadd.s32 $0xFFFFC000  }
0x58: {  	_ =	swait.ge [sflag:s13], $0x4000  }
0x59: {  	[sflag:s13] =	ssyncset.done $0x0  }
0x5a: {  	[sflag:s13] =	ssyncadd.s32 $0xFFFFC000  }
.Ltmp1:
0x5b: {  	_ =	swait.ge [sflag:s18], $0x80;
	(pc) =	sbr.rel @p0 .LBB2_1-.Ltmp1, $4  }
0x5c: {  	[sflag:s18] =	ssyncset.done $0x0  }
0x5d: {  	[sflag:s18] =	ssyncadd.s32 $0xFFFFFF80  }
0x5e: {  	_ =	swait.ge [sflag:s19], $0x80  }
0x5f: {  	[sflag:s19] =	ssyncset.done $0x0  }
.LBB2_2:
0x60: {  	[sflag:s19] =	ssyncadd.s32 $0xFFFFFF80  }
0x61: {  	_ =	sfence.sel $0x180000  }
0x62: {  	[bflag:$0x0] =	sbarrier.arrive $0xFFFF  }
0x63: {  	p0 =	sne.s32 s3, $0x0;
	_ =	strace $0x90000047  }
0x64: {  	s0 =	sadd.s32 @!p0 $0x100000, s5;
	[bflag:$0x2] =	sbarrier.arrive $0xFFFF  }
0x65: {  	[sflag:s0] =	ssyncadd.tile.s32 @!p0 $0x1;
	_ =	shalt  }
.Lfunc_end2:
_tile_overlayer_lowered:
.L_overlay_start_2:
0x66: {  	(tag) =	ssettag $0x2  }
0x67: {  	s0 =	rddreg [dreg:$0x0];
	s2 =	stileid.u32  }
0x68: {  	s1 =	rddreg [dreg:$0x1];
	p0 =	sne.s32 s2, $0x0  }
0x69: {  	s3 =	rddreg [dreg:$0x2];
	[bflag:$0x3] =	sbarrier.arrive $0xFFFF;
	s2 =	simm.s32 @!p0 $0x1C05  }
0x6a: {  	[timem:s3], [sflag:s2] =	dma.local @!p0 [hbm:s0], s1  }
0x6b: {  	s0 =	simm.s32 @!p0 $0x5  }
0x6c: {  	_ =	swait.ge @!p0 [sflag:s0], s1  }
0x6d: {  	s1 =	ssub.s32 @!p0 $0x0, s1;
	[sflag:s0] =	ssyncset.done @!p0 $0x0  }
0x6e: {  	[sflag:s0] =	ssyncadd.s32 @!p0 s1  }
0x6f: {  	[bflag:$0x3] =	sbarrier.arrive $0xFFFF  }
0x70: {  	_ =	shalt  }

</sc_bundles>
